<compile_context>
chip_gen: v7x
topology: tpu7x:2x2x1
jax: 0.10.2.dev20260603
libtpu: 0.0.44.dev20260713+nightly
codegen_flags: <defaults>
</compile_context>

<pallas_src>
import functools

import jax
import jax.numpy as jnp
from jax import lax
from jax.experimental import pallas as pl
from jax.experimental.pallas import tpu as pltpu
from jax.experimental.pallas import tpu_sc as plsc

_N_HEADS = 32
_MAX_CTX = 8192
_HDIM = 128
_QLEN = 16
_BLK = 8192
_NBLK = _MAX_CTX // _BLK


def _copy_kernel(kc_ref, vc_ref, ko_ref, vo_ref):
    ko_ref[...] = kc_ref[...]
    vo_ref[...] = vc_ref[...]


def _tc_copy(k_cache, v_cache):
    spec = pl.BlockSpec((1, 1, _BLK, _HDIM), lambda h, j: (0, h, j, 0))
    return pl.pallas_call(
        _copy_kernel,
        grid=(_N_HEADS, _NBLK),
        in_specs=[spec, spec],
        out_specs=[spec, spec],
        out_shape=[
            jax.ShapeDtypeStruct(k_cache.shape, k_cache.dtype),
            jax.ShapeDtypeStruct(v_cache.shape, v_cache.dtype),
        ],
        compiler_params=pltpu.CompilerParams(
            dimension_semantics=("parallel", "parallel"),
        ),
    )(k_cache, v_cache)


def _sc_body(ko_hbm, vo_hbm, pos_hbm, k_hbm, v_hbm,
             idx_v, src_v, krows_v, vrows_v, sem_k, sem_v):
    wid = lax.axis_index("s") * 2 + lax.axis_index("c")
    row0 = wid * _MAX_CTX
    pltpu.sync_copy(pos_hbm, idx_v)
    pvec = idx_v[...]
    m = lax.iota(jnp.int32, _QLEN)
    for j in range(_QLEN):
        bj = pvec.at[jnp.full((_QLEN,), j, jnp.int32)].get(
            mode="promise_in_bounds")
        m = jnp.where(pvec == bj, jnp.maximum(m, j), m)
    src_v[...] = m + wid * _QLEN
    idx_v[...] = pvec + row0
    gk = pltpu.make_async_copy(k_hbm.at[src_v], krows_v, sem_k)
    gv = pltpu.make_async_copy(v_hbm.at[src_v], vrows_v, sem_v)
    gk.start()
    gv.start()
    gk.wait()
    gv.wait()
    sk = pltpu.make_async_copy(krows_v, ko_hbm.at[idx_v], sem_k)
    sv = pltpu.make_async_copy(vrows_v, vo_hbm.at[idx_v], sem_v)
    sk.start()
    sv.start()
    sk.wait()
    sv.wait()


_sc_scatter = functools.partial(
    pl.kernel,
    mesh=plsc.VectorSubcoreMesh(core_axis_name="c", subcore_axis_name="s"),
    scratch_types=[
        pltpu.VMEM((_QLEN,), jnp.int32),
        pltpu.VMEM((_QLEN,), jnp.int32),
        pltpu.VMEM((_QLEN, _HDIM), jnp.float32),
        pltpu.VMEM((_QLEN, _HDIM), jnp.float32),
        pltpu.SemaphoreType.DMA,
        pltpu.SemaphoreType.DMA,
    ],
)(_sc_body)


def kernel(k_cache, v_cache, pos_ids, k, v):
    ko, vo = _tc_copy(k_cache, v_cache)
    ko_ref = jax.new_ref(ko.reshape(_N_HEADS * _MAX_CTX, _HDIM))
    vo_ref = jax.new_ref(vo.reshape(_N_HEADS * _MAX_CTX, _HDIM))
    _sc_scatter(ko_ref, vo_ref,
                pos_ids.astype(jnp.int32),
                k.reshape(_N_HEADS * _QLEN, _HDIM),
                v.reshape(_N_HEADS * _QLEN, _HDIM))
    return (ko_ref[...].reshape(k_cache.shape),
            vo_ref[...].reshape(v_cache.shape))

# --- scband reference (transcript-rebuilt; emitter-appended) ---
"""Pipeline reference for scband-kvcache-86011015070226 (READ-ONLY COPY).

The authoritative reference and input builder live on the scoring server;
editing this copy changes nothing except your own understanding.
"""

import jax, jax.numpy as jnp
import numpy as np

N_HEADS = 32
MAX_CONTEXT = 8192
DIM = 4096
HEAD_DIM = DIM // N_HEADS
Q_LEN = 16


def setup_inputs(seed: int = 0) -> dict:
    key = jax.random.key(seed)
    k1, k2, k3 = jax.random.split(key, 3)
    pos_ids = jax.random.randint(k1, (Q_LEN,), 0, MAX_CONTEXT, dtype=jnp.int64 if jax.config.jax_enable_x64 else jnp.int32)
    k = jax.random.normal(k2, (1, N_HEADS, Q_LEN, HEAD_DIM), dtype=jnp.float32)
    v = jax.random.normal(k3, (1, N_HEADS, Q_LEN, HEAD_DIM), dtype=jnp.float32)
    k_cache = jnp.zeros((1, N_HEADS, MAX_CONTEXT, HEAD_DIM), dtype=jnp.float32)
    v_cache = jnp.zeros((1, N_HEADS, MAX_CONTEXT, HEAD_DIM), dtype=jnp.float32)
    return {"k_cache": k_cache, "v_cache": v_cache, "pos_ids": pos_ids, "k": k, "v": v}


def reference(k_cache, v_cache, pos_ids, k, v):
    # Scatter-overwrite along the sequence axis, matching
    # kout[:, :, pos_ids, :] = k ; vout[:, :, pos_ids, :] = v
    kout = k_cache.at[:, :, pos_ids, :].set(k)
    vout = v_cache.at[:, :, pos_ids, :].set(v)
    return (kout, vout)

if __name__ == "__main__":
    import jax
    _d = setup_inputs()
    print(jax.jit(kernel)(*tuple(_d.values())))

</pallas_src>

<mosaic_0001>
#map = affine_map<(d0, d1) -> (0, 0)>
#map1 = affine_map<(d0, d1) -> (0)>
module attributes {stable_mosaic.version = 14 : i64} {
  func.func @new_body(%arg0: i32, %arg1: i32, %arg2: memref<262144x128xf32, #tpu.memory_space<hbm>>, %arg3: memref<262144x128xf32, #tpu.memory_space<hbm>>, %arg4: memref<16xi32, #tpu.memory_space<hbm>>, %arg5: memref<512x128xf32, #tpu.memory_space<hbm>>, %arg6: memref<512x128xf32, #tpu.memory_space<hbm>>, %arg7: memref<262144x128xf32, #tpu.memory_space<hbm>>, %arg8: memref<262144x128xf32, #tpu.memory_space<hbm>>, %arg9: memref<16xi32, #tpu.memory_space<vmem>>, %arg10: memref<16xi32, #tpu.memory_space<vmem>>, %arg11: memref<16x128xf32, #tpu.memory_space<vmem>>, %arg12: memref<16x128xf32, #tpu.memory_space<vmem>>, %arg13: memref<!tpu.dma_semaphore, #tpu.memory_space<semaphore_mem>>, %arg14: memref<!tpu.dma_semaphore, #tpu.memory_space<semaphore_mem>>) attributes {dimension_semantics = [#tpu.dimension_semantics<core_parallel>, #tpu.dimension_semantics<subcore_parallel>], iteration_bounds = array<i64: 2, 16>, scalar_prefetch = 0 : i64, scratch_operands = 6 : i64, tpu.core_type = #tpu.core_type<sc_vector_subcore>, window_params = [{transform_indices = #map}, {transform_indices = #map}, {transform_indices = #map1}, {transform_indices = #map}, {transform_indices = #map}, {transform_indices = #map}, {transform_indices = #map}]} {
    %mul3A = arith.constant 2 : i32
    %mul3A_0 = arith.muli %arg1, %mul3A : i32
    %add3A = arith.addi %mul3A_0, %arg0 : i32
    %mul3A_1 = arith.constant 8192 : i32
    %mul3A_2 = arith.muli %add3A, %mul3A_1 : i32
    "tpu.region"() ({
      %run_scoped3A = tpu.sem_alloc : memref<!tpu.dma_semaphore, #tpu.memory_space<semaphore_mem>>
      tpu.enqueue_dma source(%arg4 : memref<16xi32, #tpu.memory_space<hbm>>) target(%arg9 : memref<16xi32, #tpu.memory_space<vmem>>) target_semaphore(%run_scoped3A : memref<!tpu.dma_semaphore, #tpu.memory_space<semaphore_mem>>)
      tpu.wait_dma2 semaphore(%run_scoped3A : memref<!tpu.dma_semaphore, #tpu.memory_space<semaphore_mem>>) src(%arg4 : memref<16xi32, #tpu.memory_space<hbm>>) dst(%arg9 : memref<16xi32, #tpu.memory_space<vmem>>)
      tpu.yield
    }) : () -> ()
    %get3A = arith.constant 0 : index
    %get3A_3 = tpu.vector_load %arg9[%get3A] {strides = array<i32>} : memref<16xi32, #tpu.memory_space<vmem>>, vector<16xi32>,
    %get3A_4 = vector.shape_cast %get3A_3 : vector<16xi32> to vector<16xi32>
    %iota3A = tpu.iota {dimensions = array<i32: 0>} : vector<16xi32>
    %broadcast_in_dim3A = arith.constant 0 : i32
    %broadcast_in_dim3A_5 = vector.broadcast %broadcast_in_dim3A : i32 to vector<16xi32>
    %lt3A = arith.constant 0 : i32
    %lt3A_6 = vector.broadcast %lt3A : i32 to vector<16xi32>
    %lt3A_7 = arith.cmpi slt, %broadcast_in_dim3A_5, %lt3A_6 : vector<16xi32>
    %add3A_8 = arith.constant 16 : i32
    %add3A_9 = vector.broadcast %add3A_8 : i32 to vector<16xi32>
    %add3A_10 = arith.addi %broadcast_in_dim3A_5, %add3A_9 : vector<16xi32>
    %select_n3A = arith.select %lt3A_7, %add3A_10, %broadcast_in_dim3A_5 : vector<16xi1>, vector<16xi32>
    %broadcast_in_dim3A_11 = vector.shape_cast %select_n3A : vector<16xi32> to vector<16x1xi32>
    %gather3A = vector.shape_cast %broadcast_in_dim3A_11 : vector<16x1xi32> to vector<16xi32>
    %gather3A_12 = tpu.dynamic_gather %get3A_4[%gather3A] in [0] : vector<16xi32>, vector<16xi32> -> vector<16xi32>
    %eq3A = arith.cmpi eq, %get3A_4, %gather3A_12 : vector<16xi32>
    %max3A = arith.constant 0 : i32
    %max3A_13 = vector.broadcast %max3A : i32 to vector<16xi32>
    %max3A_14 = arith.maxsi %iota3A, %max3A_13 : vector<16xi32>
    %select_n3A_15 = arith.select %eq3A, %max3A_14, %iota3A : vector<16xi1>, vector<16xi32>
    %broadcast_in_dim3A_16 = arith.constant 1 : i32
    %broadcast_in_dim3A_17 = vector.broadcast %broadcast_in_dim3A_16 : i32 to vector<16xi32>
    %lt3A_18 = arith.constant 0 : i32
    %lt3A_19 = vector.broadcast %lt3A_18 : i32 to vector<16xi32>
    %lt3A_20 = arith.cmpi slt, %broadcast_in_dim3A_17, %lt3A_19 : vector<16xi32>
    %add3A_21 = arith.constant 16 : i32
    %add3A_22 = vector.broadcast %add3A_21 : i32 to vector<16xi32>
    %add3A_23 = arith.addi %broadcast_in_dim3A_17, %add3A_22 : vector<16xi32>
    %select_n3A_24 = arith.select %lt3A_20, %add3A_23, %broadcast_in_dim3A_17 : vector<16xi1>, vector<16xi32>
    %broadcast_in_dim3A_25 = vector.shape_cast %select_n3A_24 : vector<16xi32> to vector<16x1xi32>
    %gather3A_26 = vector.shape_cast %broadcast_in_dim3A_25 : vector<16x1xi32> to vector<16xi32>
    %gather3A_27 = tpu.dynamic_gather %get3A_4[%gather3A_26] in [0] : vector<16xi32>, vector<16xi32> -> vector<16xi32>
    %eq3A_28 = arith.cmpi eq, %get3A_4, %gather3A_27 : vector<16xi32>
    %max3A_29 = arith.constant 1 : i32
    %max3A_30 = vector.broadcast %max3A_29 : i32 to vector<16xi32>
    %max3A_31 = arith.maxsi %select_n3A_15, %max3A_30 : vector<16xi32>
    %select_n3A_32 = arith.select %eq3A_28, %max3A_31, %select_n3A_15 : vector<16xi1>, vector<16xi32>
    %broadcast_in_dim3A_33 = arith.constant 2 : i32
    %broadcast_in_dim3A_34 = vector.broadcast %broadcast_in_dim3A_33 : i32 to vector<16xi32>
    %lt3A_35 = arith.constant 0 : i32
    %lt3A_36 = vector.broadcast %lt3A_35 : i32 to vector<16xi32>
    %lt3A_37 = arith.cmpi slt, %broadcast_in_dim3A_34, %lt3A_36 : vector<16xi32>
    %add3A_38 = arith.constant 16 : i32
    %add3A_39 = vector.broadcast %add3A_38 : i32 to vector<16xi32>
    %add3A_40 = arith.addi %broadcast_in_dim3A_34, %add3A_39 : vector<16xi32>
    %select_n3A_41 = arith.select %lt3A_37, %add3A_40, %broadcast_in_dim3A_34 : vector<16xi1>, vector<16xi32>
    %broadcast_in_dim3A_42 = vector.shape_cast %select_n3A_41 : vector<16xi32> to vector<16x1xi32>
    %gather3A_43 = vector.shape_cast %broadcast_in_dim3A_42 : vector<16x1xi32> to vector<16xi32>
    %gather3A_44 = tpu.dynamic_gather %get3A_4[%gather3A_43] in [0] : vector<16xi32>, vector<16xi32> -> vector<16xi32>
    %eq3A_45 = arith.cmpi eq, %get3A_4, %gather3A_44 : vector<16xi32>
    %max3A_46 = arith.constant 2 : i32
    %max3A_47 = vector.broadcast %max3A_46 : i32 to vector<16xi32>
    %max3A_48 = arith.maxsi %select_n3A_32, %max3A_47 : vector<16xi32>
    %select_n3A_49 = arith.select %eq3A_45, %max3A_48, %select_n3A_32 : vector<16xi1>, vector<16xi32>
    %broadcast_in_dim3A_50 = arith.constant 3 : i32
    %broadcast_in_dim3A_51 = vector.broadcast %broadcast_in_dim3A_50 : i32 to vector<16xi32>
    %lt3A_52 = arith.constant 0 : i32
    %lt3A_53 = vector.broadcast %lt3A_52 : i32 to vector<16xi32>
    %lt3A_54 = arith.cmpi slt, %broadcast_in_dim3A_51, %lt3A_53 : vector<16xi32>
    %add3A_55 = arith.constant 16 : i32
    %add3A_56 = vector.broadcast %add3A_55 : i32 to vector<16xi32>
    %add3A_57 = arith.addi %broadcast_in_dim3A_51, %add3A_56 : vector<16xi32>
    %select_n3A_58 = arith.select %lt3A_54, %add3A_57, %broadcast_in_dim3A_51 : vector<16xi1>, vector<16xi32>
    %broadcast_in_dim3A_59 = vector.shape_cast %select_n3A_58 : vector<16xi32> to vector<16x1xi32>
    %gather3A_60 = vector.shape_cast %broadcast_in_dim3A_59 : vector<16x1xi32> to vector<16xi32>
    %gather3A_61 = tpu.dynamic_gather %get3A_4[%gather3A_60] in [0] : vector<16xi32>, vector<16xi32> -> vector<16xi32>
    %eq3A_62 = arith.cmpi eq, %get3A_4, %gather3A_61 : vector<16xi32>
    %max3A_63 = arith.constant 3 : i32
    %max3A_64 = vector.broadcast %max3A_63 : i32 to vector<16xi32>
    %max3A_65 = arith.maxsi %select_n3A_49, %max3A_64 : vector<16xi32>
    %select_n3A_66 = arith.select %eq3A_62, %max3A_65, %select_n3A_49 : vector<16xi1>, vector<16xi32>
    %broadcast_in_dim3A_67 = arith.constant 4 : i32
    %broadcast_in_dim3A_68 = vector.broadcast %broadcast_in_dim3A_67 : i32 to vector<16xi32>
    %lt3A_69 = arith.constant 0 : i32
    %lt3A_70 = vector.broadcast %lt3A_69 : i32 to vector<16xi32>
    %lt3A_71 = arith.cmpi slt, %broadcast_in_dim3A_68, %lt3A_70 : vector<16xi32>
    %add3A_72 = arith.constant 16 : i32
    %add3A_73 = vector.broadcast %add3A_72 : i32 to vector<16xi32>
    %add3A_74 = arith.addi %broadcast_in_dim3A_68, %add3A_73 : vector<16xi32>
    %select_n3A_75 = arith.select %lt3A_71, %add3A_74, %broadcast_in_dim3A_68 : vector<16xi1>, vector<16xi32>
    %broadcast_in_dim3A_76 = vector.shape_cast %select_n3A_75 : vector<16xi32> to vector<16x1xi32>
    %gather3A_77 = vector.shape_cast %broadcast_in_dim3A_76 : vector<16x1xi32> to vector<16xi32>
    %gather3A_78 = tpu.dynamic_gather %get3A_4[%gather3A_77] in [0] : vector<16xi32>, vector<16xi32> -> vector<16xi32>
    %eq3A_79 = arith.cmpi eq, %get3A_4, %gather3A_78 : vector<16xi32>
    %max3A_80 = arith.constant 4 : i32
    %max3A_81 = vector.broadcast %max3A_80 : i32 to vector<16xi32>
    %max3A_82 = arith.maxsi %select_n3A_66, %max3A_81 : vector<16xi32>
    %select_n3A_83 = arith.select %eq3A_79, %max3A_82, %select_n3A_66 : vector<16xi1>, vector<16xi32>
    %broadcast_in_dim3A_84 = arith.constant 5 : i32
    %broadcast_in_dim3A_85 = vector.broadcast %broadcast_in_dim3A_84 : i32 to vector<16xi32>
    %lt3A_86 = arith.constant 0 : i32
    %lt3A_87 = vector.broadcast %lt3A_86 : i32 to vector<16xi32>
    %lt3A_88 = arith.cmpi slt, %broadcast_in_dim3A_85, %lt3A_87 : vector<16xi32>
    %add3A_89 = arith.constant 16 : i32
    %add3A_90 = vector.broadcast %add3A_89 : i32 to vector<16xi32>
    %add3A_91 = arith.addi %broadcast_in_dim3A_85, %add3A_90 : vector<16xi32>
    %select_n3A_92 = arith.select %lt3A_88, %add3A_91, %broadcast_in_dim3A_85 : vector<16xi1>, vector<16xi32>
    %broadcast_in_dim3A_93 = vector.shape_cast %select_n3A_92 : vector<16xi32> to vector<16x1xi32>
    %gather3A_94 = vector.shape_cast %broadcast_in_dim3A_93 : vector<16x1xi32> to vector<16xi32>
    %gather3A_95 = tpu.dynamic_gather %get3A_4[%gather3A_94] in [0] : vector<16xi32>, vector<16xi32> -> vector<16xi32>
    %eq3A_96 = arith.cmpi eq, %get3A_4, %gather3A_95 : vector<16xi32>
    %max3A_97 = arith.constant 5 : i32
    %max3A_98 = vector.broadcast %max3A_97 : i32 to vector<16xi32>
    %max3A_99 = arith.maxsi %select_n3A_83, %max3A_98 : vector<16xi32>
    %select_n3A_100 = arith.select %eq3A_96, %max3A_99, %select_n3A_83 : vector<16xi1>, vector<16xi32>
    %broadcast_in_dim3A_101 = arith.constant 6 : i32
    %broadcast_in_dim3A_102 = vector.broadcast %broadcast_in_dim3A_101 : i32 to vector<16xi32>
    %lt3A_103 = arith.constant 0 : i32
    %lt3A_104 = vector.broadcast %lt3A_103 : i32 to vector<16xi32>
    %lt3A_105 = arith.cmpi slt, %broadcast_in_dim3A_102, %lt3A_104 : vector<16xi32>
    %add3A_106 = arith.constant 16 : i32
    %add3A_107 = vector.broadcast %add3A_106 : i32 to vector<16xi32>
    %add3A_108 = arith.addi %broadcast_in_dim3A_102, %add3A_107 : vector<16xi32>
    %select_n3A_109 = arith.select %lt3A_105, %add3A_108, %broadcast_in_dim3A_102 : vector<16xi1>, vector<16xi32>
    %broadcast_in_dim3A_110 = vector.shape_cast %select_n3A_109 : vector<16xi32> to vector<16x1xi32>
    %gather3A_111 = vector.shape_cast %broadcast_in_dim3A_110 : vector<16x1xi32> to vector<16xi32>
    %gather3A_112 = tpu.dynamic_gather %get3A_4[%gather3A_111] in [0] : vector<16xi32>, vector<16xi32> -> vector<16xi32>
    %eq3A_113 = arith.cmpi eq, %get3A_4, %gather3A_112 : vector<16xi32>
    %max3A_114 = arith.constant 6 : i32
    %max3A_115 = vector.broadcast %max3A_114 : i32 to vector<16xi32>
    %max3A_116 = arith.maxsi %select_n3A_100, %max3A_115 : vector<16xi32>
    %select_n3A_117 = arith.select %eq3A_113, %max3A_116, %select_n3A_100 : vector<16xi1>, vector<16xi32>
    %broadcast_in_dim3A_118 = arith.constant 7 : i32
    %broadcast_in_dim3A_119 = vector.broadcast %broadcast_in_dim3A_118 : i32 to vector<16xi32>
    %lt3A_120 = arith.constant 0 : i32
    %lt3A_121 = vector.broadcast %lt3A_120 : i32 to vector<16xi32>
    %lt3A_122 = arith.cmpi slt, %broadcast_in_dim3A_119, %lt3A_121 : vector<16xi32>
    %add3A_123 = arith.constant 16 : i32
    %add3A_124 = vector.broadcast %add3A_123 : i32 to vector<16xi32>
    %add3A_125 = arith.addi %broadcast_in_dim3A_119, %add3A_124 : vector<16xi32>
    %select_n3A_126 = arith.select %lt3A_122, %add3A_125, %broadcast_in_dim3A_119 : vector<16xi1>, vector<16xi32>
    %broadcast_in_dim3A_127 = vector.shape_cast %select_n3A_126 : vector<16xi32> to vector<16x1xi32>
    %gather3A_128 = vector.shape_cast %broadcast_in_dim3A_127 : vector<16x1xi32> to vector<16xi32>
    %gather3A_129 = tpu.dynamic_gather %get3A_4[%gather3A_128] in [0] : vector<16xi32>, vector<16xi32> -> vector<16xi32>
    %eq3A_130 = arith.cmpi eq, %get3A_4, %gather3A_129 : vector<16xi32>
    %max3A_131 = arith.constant 7 : i32
    %max3A_132 = vector.broadcast %max3A_131 : i32 to vector<16xi32>
    %max3A_133 = arith.maxsi %select_n3A_117, %max3A_132 : vector<16xi32>
    %select_n3A_134 = arith.select %eq3A_130, %max3A_133, %select_n3A_117 : vector<16xi1>, vector<16xi32>
    %broadcast_in_dim3A_135 = arith.constant 8 : i32
    %broadcast_in_dim3A_136 = vector.broadcast %broadcast_in_dim3A_135 : i32 to vector<16xi32>
    %lt3A_137 = arith.constant 0 : i32
    %lt3A_138 = vector.broadcast %lt3A_137 : i32 to vector<16xi32>
    %lt3A_139 = arith.cmpi slt, %broadcast_in_dim3A_136, %lt3A_138 : vector<16xi32>
    %add3A_140 = arith.constant 16 : i32
    %add3A_141 = vector.broadcast %add3A_140 : i32 to vector<16xi32>
    %add3A_142 = arith.addi %broadcast_in_dim3A_136, %add3A_141 : vector<16xi32>
    %select_n3A_143 = arith.select %lt3A_139, %add3A_142, %broadcast_in_dim3A_136 : vector<16xi1>, vector<16xi32>
    %broadcast_in_dim3A_144 = vector.shape_cast %select_n3A_143 : vector<16xi32> to vector<16x1xi32>
    %gather3A_145 = vector.shape_cast %broadcast_in_dim3A_144 : vector<16x1xi32> to vector<16xi32>
    %gather3A_146 = tpu.dynamic_gather %get3A_4[%gather3A_145] in [0] : vector<16xi32>, vector<16xi32> -> vector<16xi32>
    %eq3A_147 = arith.cmpi eq, %get3A_4, %gather3A_146 : vector<16xi32>
    %max3A_148 = arith.constant 8 : i32
    %max3A_149 = vector.broadcast %max3A_148 : i32 to vector<16xi32>
    %max3A_150 = arith.maxsi %select_n3A_134, %max3A_149 : vector<16xi32>
    %select_n3A_151 = arith.select %eq3A_147, %max3A_150, %select_n3A_134 : vector<16xi1>, vector<16xi32>
    %broadcast_in_dim3A_152 = arith.constant 9 : i32
    %broadcast_in_dim3A_153 = vector.broadcast %broadcast_in_dim3A_152 : i32 to vector<16xi32>
    %lt3A_154 = arith.constant 0 : i32
    %lt3A_155 = vector.broadcast %lt3A_154 : i32 to vector<16xi32>
    %lt3A_156 = arith.cmpi slt, %broadcast_in_dim3A_153, %lt3A_155 : vector<16xi32>
    %add3A_157 = arith.constant 16 : i32
    %add3A_158 = vector.broadcast %add3A_157 : i32 to vector<16xi32>
    %add3A_159 = arith.addi %broadcast_in_dim3A_153, %add3A_158 : vector<16xi32>
    %select_n3A_160 = arith.select %lt3A_156, %add3A_159, %broadcast_in_dim3A_153 : vector<16xi1>, vector<16xi32>
    %broadcast_in_dim3A_161 = vector.shape_cast %select_n3A_160 : vector<16xi32> to vector<16x1xi32>
    %gather3A_162 = vector.shape_cast %broadcast_in_dim3A_161 : vector<16x1xi32> to vector<16xi32>
    %gather3A_163 = tpu.dynamic_gather %get3A_4[%gather3A_162] in [0] : vector<16xi32>, vector<16xi32> -> vector<16xi32>
    %eq3A_164 = arith.cmpi eq, %get3A_4, %gather3A_163 : vector<16xi32>
    %max3A_165 = arith.constant 9 : i32
    %max3A_166 = vector.broadcast %max3A_165 : i32 to vector<16xi32>
    %max3A_167 = arith.maxsi %select_n3A_151, %max3A_166 : vector<16xi32>
    %select_n3A_168 = arith.select %eq3A_164, %max3A_167, %select_n3A_151 : vector<16xi1>, vector<16xi32>
    %broadcast_in_dim3A_169 = arith.constant 10 : i32
    %broadcast_in_dim3A_170 = vector.broadcast %broadcast_in_dim3A_169 : i32 to vector<16xi32>
    %lt3A_171 = arith.constant 0 : i32
    %lt3A_172 = vector.broadcast %lt3A_171 : i32 to vector<16xi32>
    %lt3A_173 = arith.cmpi slt, %broadcast_in_dim3A_170, %lt3A_172 : vector<16xi32>
    %add3A_174 = arith.constant 16 : i32
    %add3A_175 = vector.broadcast %add3A_174 : i32 to vector<16xi32>
    %add3A_176 = arith.addi %broadcast_in_dim3A_170, %add3A_175 : vector<16xi32>
    %select_n3A_177 = arith.select %lt3A_173, %add3A_176, %broadcast_in_dim3A_170 : vector<16xi1>, vector<16xi32>
    %broadcast_in_dim3A_178 = vector.shape_cast %select_n3A_177 : vector<16xi32> to vector<16x1xi32>
    %gather3A_179 = vector.shape_cast %broadcast_in_dim3A_178 : vector<16x1xi32> to vector<16xi32>
    %gather3A_180 = tpu.dynamic_gather %get3A_4[%gather3A_179] in [0] : vector<16xi32>, vector<16xi32> -> vector<16xi32>
    %eq3A_181 = arith.cmpi eq, %get3A_4, %gather3A_180 : vector<16xi32>
    %max3A_182 = arith.constant 10 : i32
    %max3A_183 = vector.broadcast %max3A_182 : i32 to vector<16xi32>
    %max3A_184 = arith.maxsi %select_n3A_168, %max3A_183 : vector<16xi32>
    %select_n3A_185 = arith.select %eq3A_181, %max3A_184, %select_n3A_168 : vector<16xi1>, vector<16xi32>
    %broadcast_in_dim3A_186 = arith.constant 11 : i32
    %broadcast_in_dim3A_187 = vector.broadcast %broadcast_in_dim3A_186 : i32 to vector<16xi32>
    %lt3A_188 = arith.constant 0 : i32
    %lt3A_189 = vector.broadcast %lt3A_188 : i32 to vector<16xi32>
    %lt3A_190 = arith.cmpi slt, %broadcast_in_dim3A_187, %lt3A_189 : vector<16xi32>
    %add3A_191 = arith.constant 16 : i32
    %add3A_192 = vector.broadcast %add3A_191 : i32 to vector<16xi32>
    %add3A_193 = arith.addi %broadcast_in_dim3A_187, %add3A_192 : vector<16xi32>
    %select_n3A_194 = arith.select %lt3A_190, %add3A_193, %broadcast_in_dim3A_187 : vector<16xi1>, vector<16xi32>
    %broadcast_in_dim3A_195 = vector.shape_cast %select_n3A_194 : vector<16xi32> to vector<16x1xi32>
    %gather3A_196 = vector.shape_cast %broadcast_in_dim3A_195 : vector<16x1xi32> to vector<16xi32>
    %gather3A_197 = tpu.dynamic_gather %get3A_4[%gather3A_196] in [0] : vector<16xi32>, vector<16xi32> -> vector<16xi32>
    %eq3A_198 = arith.cmpi eq, %get3A_4, %gather3A_197 : vector<16xi32>
    %max3A_199 = arith.constant 11 : i32
    %max3A_200 = vector.broadcast %max3A_199 : i32 to vector<16xi32>
    %max3A_201 = arith.maxsi %select_n3A_185, %max3A_200 : vector<16xi32>
    %select_n3A_202 = arith.select %eq3A_198, %max3A_201, %select_n3A_185 : vector<16xi1>, vector<16xi32>
    %broadcast_in_dim3A_203 = arith.constant 12 : i32
    %broadcast_in_dim3A_204 = vector.broadcast %broadcast_in_dim3A_203 : i32 to vector<16xi32>
    %lt3A_205 = arith.constant 0 : i32
    %lt3A_206 = vector.broadcast %lt3A_205 : i32 to vector<16xi32>
    %lt3A_207 = arith.cmpi slt, %broadcast_in_dim3A_204, %lt3A_206 : vector<16xi32>
    %add3A_208 = arith.constant 16 : i32
    %add3A_209 = vector.broadcast %add3A_208 : i32 to vector<16xi32>
    %add3A_210 = arith.addi %broadcast_in_dim3A_204, %add3A_209 : vector<16xi32>
    %select_n3A_211 = arith.select %lt3A_207, %add3A_210, %broadcast_in_dim3A_204 : vector<16xi1>, vector<16xi32>
    %broadcast_in_dim3A_212 = vector.shape_cast %select_n3A_211 : vector<16xi32> to vector<16x1xi32>
    %gather3A_213 = vector.shape_cast %broadcast_in_dim3A_212 : vector<16x1xi32> to vector<16xi32>
    %gather3A_214 = tpu.dynamic_gather %get3A_4[%gather3A_213] in [0] : vector<16xi32>, vector<16xi32> -> vector<16xi32>
    %eq3A_215 = arith.cmpi eq, %get3A_4, %gather3A_214 : vector<16xi32>
    %max3A_216 = arith.constant 12 : i32
    %max3A_217 = vector.broadcast %max3A_216 : i32 to vector<16xi32>
    %max3A_218 = arith.maxsi %select_n3A_202, %max3A_217 : vector<16xi32>
    %select_n3A_219 = arith.select %eq3A_215, %max3A_218, %select_n3A_202 : vector<16xi1>, vector<16xi32>
    %broadcast_in_dim3A_220 = arith.constant 13 : i32
    %broadcast_in_dim3A_221 = vector.broadcast %broadcast_in_dim3A_220 : i32 to vector<16xi32>
    %lt3A_222 = arith.constant 0 : i32
    %lt3A_223 = vector.broadcast %lt3A_222 : i32 to vector<16xi32>
    %lt3A_224 = arith.cmpi slt, %broadcast_in_dim3A_221, %lt3A_223 : vector<16xi32>
    %add3A_225 = arith.constant 16 : i32
    %add3A_226 = vector.broadcast %add3A_225 : i32 to vector<16xi32>
    %add3A_227 = arith.addi %broadcast_in_dim3A_221, %add3A_226 : vector<16xi32>
    %select_n3A_228 = arith.select %lt3A_224, %add3A_227, %broadcast_in_dim3A_221 : vector<16xi1>, vector<16xi32>
    %broadcast_in_dim3A_229 = vector.shape_cast %select_n3A_228 : vector<16xi32> to vector<16x1xi32>
    %gather3A_230 = vector.shape_cast %broadcast_in_dim3A_229 : vector<16x1xi32> to vector<16xi32>
    %gather3A_231 = tpu.dynamic_gather %get3A_4[%gather3A_230] in [0] : vector<16xi32>, vector<16xi32> -> vector<16xi32>
    %eq3A_232 = arith.cmpi eq, %get3A_4, %gather3A_231 : vector<16xi32>
    %max3A_233 = arith.constant 13 : i32
    %max3A_234 = vector.broadcast %max3A_233 : i32 to vector<16xi32>
    %max3A_235 = arith.maxsi %select_n3A_219, %max3A_234 : vector<16xi32>
    %select_n3A_236 = arith.select %eq3A_232, %max3A_235, %select_n3A_219 : vector<16xi1>, vector<16xi32>
    %broadcast_in_dim3A_237 = arith.constant 14 : i32
    %broadcast_in_dim3A_238 = vector.broadcast %broadcast_in_dim3A_237 : i32 to vector<16xi32>
    %lt3A_239 = arith.constant 0 : i32
    %lt3A_240 = vector.broadcast %lt3A_239 : i32 to vector<16xi32>
    %lt3A_241 = arith.cmpi slt, %broadcast_in_dim3A_238, %lt3A_240 : vector<16xi32>
    %add3A_242 = arith.constant 16 : i32
    %add3A_243 = vector.broadcast %add3A_242 : i32 to vector<16xi32>
    %add3A_244 = arith.addi %broadcast_in_dim3A_238, %add3A_243 : vector<16xi32>
    %select_n3A_245 = arith.select %lt3A_241, %add3A_244, %broadcast_in_dim3A_238 : vector<16xi1>, vector<16xi32>
    %broadcast_in_dim3A_246 = vector.shape_cast %select_n3A_245 : vector<16xi32> to vector<16x1xi32>
    %gather3A_247 = vector.shape_cast %broadcast_in_dim3A_246 : vector<16x1xi32> to vector<16xi32>
    %gather3A_248 = tpu.dynamic_gather %get3A_4[%gather3A_247] in [0] : vector<16xi32>, vector<16xi32> -> vector<16xi32>
    %eq3A_249 = arith.cmpi eq, %get3A_4, %gather3A_248 : vector<16xi32>
    %max3A_250 = arith.constant 14 : i32
    %max3A_251 = vector.broadcast %max3A_250 : i32 to vector<16xi32>
    %max3A_252 = arith.maxsi %select_n3A_236, %max3A_251 : vector<16xi32>
    %select_n3A_253 = arith.select %eq3A_249, %max3A_252, %select_n3A_236 : vector<16xi1>, vector<16xi32>
    %broadcast_in_dim3A_254 = arith.constant 15 : i32
    %broadcast_in_dim3A_255 = vector.broadcast %broadcast_in_dim3A_254 : i32 to vector<16xi32>
    %lt3A_256 = arith.constant 0 : i32
    %lt3A_257 = vector.broadcast %lt3A_256 : i32 to vector<16xi32>
    %lt3A_258 = arith.cmpi slt, %broadcast_in_dim3A_255, %lt3A_257 : vector<16xi32>
    %add3A_259 = arith.constant 16 : i32
    %add3A_260 = vector.broadcast %add3A_259 : i32 to vector<16xi32>
    %add3A_261 = arith.addi %broadcast_in_dim3A_255, %add3A_260 : vector<16xi32>
    %select_n3A_262 = arith.select %lt3A_258, %add3A_261, %broadcast_in_dim3A_255 : vector<16xi1>, vector<16xi32>
    %broadcast_in_dim3A_263 = vector.shape_cast %select_n3A_262 : vector<16xi32> to vector<16x1xi32>
    %gather3A_264 = vector.shape_cast %broadcast_in_dim3A_263 : vector<16x1xi32> to vector<16xi32>
    %gather3A_265 = tpu.dynamic_gather %get3A_4[%gather3A_264] in [0] : vector<16xi32>, vector<16xi32> -> vector<16xi32>
    %eq3A_266 = arith.cmpi eq, %get3A_4, %gather3A_265 : vector<16xi32>
    %max3A_267 = arith.constant 15 : i32
    %max3A_268 = vector.broadcast %max3A_267 : i32 to vector<16xi32>
    %max3A_269 = arith.maxsi %select_n3A_253, %max3A_268 : vector<16xi32>
    %select_n3A_270 = arith.select %eq3A_266, %max3A_269, %select_n3A_253 : vector<16xi1>, vector<16xi32>
    %mul3A_271 = arith.constant 16 : i32
    %mul3A_272 = arith.muli %add3A, %mul3A_271 : i32
    %add3A_273 = vector.broadcast %mul3A_272 : i32 to vector<16xi32>
    %add3A_274 = arith.addi %select_n3A_270, %add3A_273 : vector<16xi32>
    %swap3A = arith.constant 0 : index
    %swap3A_275 = tpu.vector_load %arg10[%swap3A] {strides = array<i32>} : memref<16xi32, #tpu.memory_space<vmem>>, vector<16xi32>,
    %swap3A_276 = vector.shape_cast %swap3A_275 : vector<16xi32> to vector<16xi32>
    %swap3A_277 = vector.shape_cast %add3A_274 : vector<16xi32> to vector<16xi32>
    tpu.vector_store %arg10[%swap3A], %swap3A_277 {strides = array<i32>} : memref<16xi32, #tpu.memory_space<vmem>>, vector<16xi32>,
    %add3A_278 = vector.broadcast %mul3A_2 : i32 to vector<16xi32>
    %add3A_279 = arith.addi %get3A_4, %add3A_278 : vector<16xi32>
    %swap3A_280 = arith.constant 0 : index
    %swap3A_281 = tpu.vector_load %arg9[%swap3A_280] {strides = array<i32>} : memref<16xi32, #tpu.memory_space<vmem>>, vector<16xi32>,
    %swap3A_282 = vector.shape_cast %swap3A_281 : vector<16xi32> to vector<16xi32>
    %swap3A_283 = vector.shape_cast %add3A_279 : vector<16xi32> to vector<16xi32>
    tpu.vector_store %arg9[%swap3A_280], %swap3A_283 {strides = array<i32>} : memref<16xi32, #tpu.memory_space<vmem>>, vector<16xi32>,
    %dma_start3A = arith.constant 0 : i32
    %dma_start3A_284 = arith.constant 0 : i32
    %dma_start3A_285 = tpu.memref_slice %arg5[%dma_start3A, %dma_start3A_284] : memref<512x128xf32, #tpu.memory_space<hbm>> -> memref<512x128xf32, #tpu.memory_space<hbm>>
    tpu.enqueue_indirect_dma source(%dma_start3A_285 : memref<512x128xf32, #tpu.memory_space<hbm>>) target(%arg11 : memref<16x128xf32, #tpu.memory_space<vmem>>) offsets(%arg10 : memref<16xi32, #tpu.memory_space<vmem>>) semaphore(%arg13 : memref<!tpu.dma_semaphore, #tpu.memory_space<semaphore_mem>>)
    %dma_start3A_286 = arith.constant 0 : i32
    %dma_start3A_287 = arith.constant 0 : i32
    %dma_start3A_288 = tpu.memref_slice %arg6[%dma_start3A_286, %dma_start3A_287] : memref<512x128xf32, #tpu.memory_space<hbm>> -> memref<512x128xf32, #tpu.memory_space<hbm>>
    tpu.enqueue_indirect_dma source(%dma_start3A_288 : memref<512x128xf32, #tpu.memory_space<hbm>>) target(%arg12 : memref<16x128xf32, #tpu.memory_space<vmem>>) offsets(%arg10 : memref<16xi32, #tpu.memory_space<vmem>>) semaphore(%arg14 : memref<!tpu.dma_semaphore, #tpu.memory_space<semaphore_mem>>)
    %dma_wait3A = arith.constant 0 : i32
    %dma_wait3A_289 = arith.constant 0 : i32
    %dma_wait3A_290 = tpu.memref_slice %arg5[%dma_wait3A, %dma_wait3A_289] : memref<512x128xf32, #tpu.memory_space<hbm>> -> memref<512x128xf32, #tpu.memory_space<hbm>>
    tpu.wait_indirect_dma semaphore(%arg13 : memref<!tpu.dma_semaphore, #tpu.memory_space<semaphore_mem>>) src(%dma_wait3A_290 : memref<512x128xf32, #tpu.memory_space<hbm>>) dst(%arg11 : memref<16x128xf32, #tpu.memory_space<vmem>>)
    %dma_wait3A_291 = arith.constant 0 : i32
    %dma_wait3A_292 = arith.constant 0 : i32
    %dma_wait3A_293 = tpu.memref_slice %arg6[%dma_wait3A_291, %dma_wait3A_292] : memref<512x128xf32, #tpu.memory_space<hbm>> -> memref<512x128xf32, #tpu.memory_space<hbm>>
    tpu.wait_indirect_dma semaphore(%arg14 : memref<!tpu.dma_semaphore, #tpu.memory_space<semaphore_mem>>) src(%dma_wait3A_293 : memref<512x128xf32, #tpu.memory_space<hbm>>) dst(%arg12 : memref<16x128xf32, #tpu.memory_space<vmem>>)
    %dma_start3A_294 = arith.constant 0 : i32
    %dma_start3A_295 = arith.constant 0 : i32
    %dma_start3A_296 = tpu.memref_slice %arg2[%dma_start3A_294, %dma_start3A_295] : memref<262144x128xf32, #tpu.memory_space<hbm>> -> memref<262144x128xf32, #tpu.memory_space<hbm>>
    tpu.enqueue_indirect_dma source(%arg11 : memref<16x128xf32, #tpu.memory_space<vmem>>) target(%dma_start3A_296 : memref<262144x128xf32, #tpu.memory_space<hbm>>) offsets(%arg9 : memref<16xi32, #tpu.memory_space<vmem>>) semaphore(%arg13 : memref<!tpu.dma_semaphore, #tpu.memory_space<semaphore_mem>>)
    %dma_start3A_297 = arith.constant 0 : i32
    %dma_start3A_298 = arith.constant 0 : i32
    %dma_start3A_299 = tpu.memref_slice %arg3[%dma_start3A_297, %dma_start3A_298] : memref<262144x128xf32, #tpu.memory_space<hbm>> -> memref<262144x128xf32, #tpu.memory_space<hbm>>
    tpu.enqueue_indirect_dma source(%arg12 : memref<16x128xf32, #tpu.memory_space<vmem>>) target(%dma_start3A_299 : memref<262144x128xf32, #tpu.memory_space<hbm>>) offsets(%arg9 : memref<16xi32, #tpu.memory_space<vmem>>) semaphore(%arg14 : memref<!tpu.dma_semaphore, #tpu.memory_space<semaphore_mem>>)
    %dma_wait3A_300 = arith.constant 0 : i32
    %dma_wait3A_301 = arith.constant 0 : i32
    %dma_wait3A_302 = tpu.memref_slice %arg2[%dma_wait3A_300, %dma_wait3A_301] : memref<262144x128xf32, #tpu.memory_space<hbm>> -> memref<262144x128xf32, #tpu.memory_space<hbm>>
    tpu.wait_indirect_dma semaphore(%arg13 : memref<!tpu.dma_semaphore, #tpu.memory_space<semaphore_mem>>) src(%arg11 : memref<16x128xf32, #tpu.memory_space<vmem>>) dst(%dma_wait3A_302 : memref<262144x128xf32, #tpu.memory_space<hbm>>)
    %dma_wait3A_303 = arith.constant 0 : i32
    %dma_wait3A_304 = arith.constant 0 : i32
    %dma_wait3A_305 = tpu.memref_slice %arg3[%dma_wait3A_303, %dma_wait3A_304] : memref<262144x128xf32, #tpu.memory_space<hbm>> -> memref<262144x128xf32, #tpu.memory_space<hbm>>
    tpu.wait_indirect_dma semaphore(%arg14 : memref<!tpu.dma_semaphore, #tpu.memory_space<semaphore_mem>>) src(%arg12 : memref<16x128xf32, #tpu.memory_space<vmem>>) dst(%dma_wait3A_305 : memref<262144x128xf32, #tpu.memory_space<hbm>>)
    return
  }
}

module attributes {stable_mosaic.version = 14 : i64} {
  func.func @_copy_kernel(%arg0: i32, %arg1: i32, %arg2: memref<1x1x8192x128xf32, #tpu.memory_space<vmem>>, %arg3: memref<1x1x8192x128xf32, #tpu.memory_space<vmem>>, %arg4: memref<1x1x8192x128xf32, #tpu.memory_space<vmem>>, %arg5: memref<1x1x8192x128xf32, #tpu.memory_space<vmem>>) attributes {dimension_semantics = [#tpu.dimension_semantics<parallel>, #tpu.dimension_semantics<parallel>], iteration_bounds = array<i64: 32, 1>, scalar_prefetch = 0 : i64, scratch_operands = 0 : i64, tpu.core_type = #tpu.core_type<tc>, window_params = [{transform_indices = @transform_0, window_bounds = array<i64: 1, 1, 8192, 128>}, {transform_indices = @transform_1, window_bounds = array<i64: 1, 1, 8192, 128>}, {transform_indices = @transform_2, window_bounds = array<i64: 1, 1, 8192, 128>}, {transform_indices = @transform_3, window_bounds = array<i64: 1, 1, 8192, 128>}]} {
    %get3A = arith.constant 0 : index
    %get3A_0 = arith.constant 0 : index
    %get3A_1 = arith.constant 0 : index
    %get3A_2 = arith.constant 0 : index
    %get3A_3 = vector.load %arg2[%get3A, %get3A_0, %get3A_1, %get3A_2] : memref<1x1x8192x128xf32, #tpu.memory_space<vmem>>, vector<1x1x8192x128xf32>
    %swap3A = arith.constant 0 : index
    %swap3A_4 = arith.constant 0 : index
    %swap3A_5 = arith.constant 0 : index
    %swap3A_6 = arith.constant 0 : index
    %swap3A_7 = vector.load %arg4[%swap3A, %swap3A_4, %swap3A_5, %swap3A_6] : memref<1x1x8192x128xf32, #tpu.memory_space<vmem>>, vector<1x1x8192x128xf32>
    tpu.vector_store %arg4[%swap3A, %swap3A_4, %swap3A_5, %swap3A_6], %get3A_3 {strides = array<i32>} : memref<1x1x8192x128xf32, #tpu.memory_space<vmem>>, vector<1x1x8192x128xf32>,
    %get3A_8 = arith.constant 0 : index
    %get3A_9 = arith.constant 0 : index
    %get3A_10 = arith.constant 0 : index
    %get3A_11 = arith.constant 0 : index
    %get3A_12 = vector.load %arg3[%get3A_8, %get3A_9, %get3A_10, %get3A_11] : memref<1x1x8192x128xf32, #tpu.memory_space<vmem>>, vector<1x1x8192x128xf32>
    %swap3A_13 = arith.constant 0 : index
    %swap3A_14 = arith.constant 0 : index
    %swap3A_15 = arith.constant 0 : index
    %swap3A_16 = arith.constant 0 : index
    %swap3A_17 = vector.load %arg5[%swap3A_13, %swap3A_14, %swap3A_15, %swap3A_16] : memref<1x1x8192x128xf32, #tpu.memory_space<vmem>>, vector<1x1x8192x128xf32>
    tpu.vector_store %arg5[%swap3A_13, %swap3A_14, %swap3A_15, %swap3A_16], %get3A_12 {strides = array<i32>} : memref<1x1x8192x128xf32, #tpu.memory_space<vmem>>, vector<1x1x8192x128xf32>,
    return
  }
  func.func @transform_0(%arg0: i32, %arg1: i32) -> (i32, i32, i32, i32) {
    %c0_i32 = arith.constant 0 : i32
    %c0_i32_0 = arith.constant 0 : i32
    %c0_i32_1 = arith.constant 0 : i32
    return %c0_i32, %arg0, %arg1, %c0_i32_0 : i32, i32, i32, i32
  }
  func.func @transform_1(%arg0: i32, %arg1: i32) -> (i32, i32, i32, i32) {
    %c0_i32 = arith.constant 0 : i32
    %c0_i32_0 = arith.constant 0 : i32
    %c0_i32_1 = arith.constant 0 : i32
    return %c0_i32, %arg0, %arg1, %c0_i32_0 : i32, i32, i32, i32
  }
  func.func @transform_2(%arg0: i32, %arg1: i32) -> (i32, i32, i32, i32) {
    %c0_i32 = arith.constant 0 : i32
    %c0_i32_0 = arith.constant 0 : i32
    %c0_i32_1 = arith.constant 0 : i32
    return %c0_i32, %arg0, %arg1, %c0_i32_0 : i32, i32, i32, i32
  }
  func.func @transform_3(%arg0: i32, %arg1: i32) -> (i32, i32, i32, i32) {
    %c0_i32 = arith.constant 0 : i32
    %c0_i32_0 = arith.constant 0 : i32
    %c0_i32_1 = arith.constant 0 : i32
    return %c0_i32, %arg0, %arg1, %c0_i32_0 : i32, i32, i32, i32
  }
}

</mosaic_0001>

<sc_bundles>
// kernel: kernel.4.cloned.1.call-start
scs
__scs_entry_jumppad:
0x0: {  	(pc) =	sbr.rel $0x88, $3  }
0x1: {  	(tag) =	ssettag $0x0;
	lr =	simm.s32 $0x1  }
0x2: {  	[smem:$0x3F9C] =	sst lr;
	_ =	strace $0xD0000000  }
0x3: {  	_ = 	snop  }
0x4: {  	_ = 	snop  }
0x5: {  	_ = 	snop  }
0x6: {  	_ = 	snop  }
0x7: {  	_ = 	snop  }
__scs_overlays_trampoline_lowered:
0x8: {  	[smem:$0x3FAB] =	sst s0  }
0x9: {  	[smem:$0x3FAC] =	sst s1  }
0xa: {  	[smem:$0x3FAD] =	sst s2  }
0xb: {  	[smem:$0x3FAE] =	sst s3  }
0xc: {  	[smem:$0x3FAF] =	sst s4  }
0xd: {  	[smem:$0x3FB0] =	sst s5  }
0xe: {  	[smem:$0x3FB1] =	sst s6  }
0xf: {  	[smem:$0x3FB2] =	sst s7  }
0x10: {  	[smem:$0x3FB3] =	sst s8  }
0x11: {  	[smem:$0x3FB4] =	sst s9;
	s0 =	simm.s32 @!p0 $0x0  }
0x12: {  	s1 =	sld [smem:$0x3F9A];
	s0 =	simm.s32 @p0 $0x1  }
0x13: {  	[smem:$0x3FB5] =	sst s0;
	s0 =	simm.s32 @!p1 $0x0  }
0x14: {  	s2 =	sld [smem:$0x3F99];
	s0 =	simm.s32 @p1 $0x1  }
0x15: {  	[smem:$0x3FB6] =	sst s0;
	s0 =	simm.s32 @!p2 $0x0  }
0x16: {  	s3 =	sld [smem:$0x3FDB];
	s0 =	simm.s32 @p2 $0x1  }
0x17: {  	s4 =	simm.s32 $0x1BF5;
	[smem:$0x3FB8] =	sst s0  }
0x18: {  	s0 =	sld [smem:$0x3F9B];
	_ =	swait.ge [sflag:s4], $0x0  }
0x19: {  	s7 =	sld [smem:$0x3F9C]  }
0x1a: {  	s8 =	sadd.s32 $0xFFFFE003, lr  }
0x1b: {  	s9 =	sadd.s32 $0xFFFFFEF7, lr;
	s5 =	simm.s32 $0xFFFFFFFF;
	p2 =	slt.u32 s8, $0xFFFFF086  }
0x1c: {  	p1 =	slt.u32 s9, $0xF7A;
	s5 =	simm.s32 @!p2 $0x0  }
0x1d: {  	s5 =	simm.s32 @p1 $0x1;
	p0 =	seq.s32 s7, s2  }
0x1e: {  	s7 =	smul.u32 @!p0 $0xF7A, s2;
	p2 =	seq.s32 @!p0 s5, $0x0  }
0x1f: {  	s9 =	smul.u32 $0xF7A, s1;
	s8 =	simm.s32 @!p0 $0x1BF5;
	p2 =	por !p2, p0  }
0x20: {  	[sflag:s8] =	ssyncset.s32 @!p0 $0xFFFFF086;
	s6 =	sadd.s32 @!p0 s3, s7;
	s7 =	simm.s32 @!p0 $0x108  }
0x21: {  	s3 =	sadd.s32 s3, s9;
	s6 =	sadd.s32 @!p0 $0x88, s6;
	s7 =	simm.s32 @p2 $0x1082  }
0x22: {  	[simem:s7], [sflag:s8] =	dma.local @!p0 [hbm:s6], $0xF7A  }
0x23: {  	s9 =	sor.u32 $0xD0000000, s2;
	s6 =	simm.s32 $0x108;
	_ =	swait.ge @!p0 [sflag:s8], $0x0  }
0x24: {  	s3 =	sadd.s32 $0x88, s3;
	s6 =	simm.s32 @!p1 $0x1082;
	[sflag:s4] =	ssyncset.s32 $0xFFFFF086  }
0x25: {  	[simem:s6], [sflag:s4] =	dma.local [hbm:s3], $0xF7A  }
0x26: {  	[smem:$0x3F9C] =	sst s1;
	(tag) =	ssettag s2;
	_ =	strace s9  }
0x27: {  	s1 =	sld [smem:$0x3FAC]  }
0x28: {  	s2 =	sld [smem:$0x3FAD]  }
0x29: {  	s4 =	sld [smem:$0x3FAF]  }
0x2a: {  	p0 =	seq.s32 s5, $0x0;
	s5 =	sld [smem:$0x3FB0]  }
0x2b: {  	s6 =	sld [smem:$0x3FB1]  }
0x2c: {  	s7 =	sld [smem:$0x3FB2]  }
0x2d: {  	s3 =	simm.s32 $0x108;
	s8 =	sld [smem:$0x3FB3]  }
0x2e: {  	s3 =	simm.s32 @!p0 $0x1082;
	s9 =	sld [smem:$0x3FB4]  }
0x2f: {  	lr =	sadd.s32 s0, s3;
	s0 =	sld [smem:$0x3FAB]  }
0x30: {  	s3 =	sld [smem:$0x3FAE]  }
0x31: {  	[smem:$0x3FB7] =	sst s10  }
0x32: {  	s10 =	sld [smem:$0x3FB5];
	_ =	sdelay $0x3  }
0x33: {  	p0 =	seq.s32 s10, $0x1;
	s10 =	sld [smem:$0x3FB7];
	_ =	sdelay $0x3  }
0x34: {  	[smem:$0x3FB7] =	sst s10  }
0x35: {  	s10 =	sld [smem:$0x3FB6];
	_ =	sdelay $0x3  }
0x36: {  	p1 =	seq.s32 s10, $0x1;
	s10 =	sld [smem:$0x3FB7];
	_ =	sdelay $0x3  }
0x37: {  	[smem:$0x3FB7] =	sst s10  }
0x38: {  	s10 =	sld [smem:$0x3FB8]  }
0x39: {  	_ = 	snop;
	(pc) =	sbr.ind lr, $3  }
0x3a: {  	_ = 	snop  }
0x3b: {  	_ = 	snop  }
0x3c: {  	p2 =	seq.s32 s10, $0x1;
	s10 =	sld [smem:$0x3FB7]  }
0x3d: {  	_ =	shalt  }
0x3e: {  	_ =	shalt  }
0x3f: {  	_ =	shalt  }
0x40: {  	_ =	shalt  }
0x41: {  	_ =	shalt  }
0x42: {  	_ =	shalt  }
0x43: {  	_ =	shalt  }
0x44: {  	_ =	shalt  }
0x45: {  	_ =	shalt  }
0x46: {  	_ =	shalt  }
0x47: {  	_ =	shalt  }
0x48: {  	_ =	shalt  }
0x49: {  	_ =	shalt  }
0x4a: {  	_ =	shalt  }
0x4b: {  	_ =	shalt  }
0x4c: {  	_ =	shalt  }
0x4d: {  	_ =	shalt  }
0x4e: {  	_ =	shalt  }
0x4f: {  	_ =	shalt  }
0x50: {  	_ =	shalt  }
0x51: {  	_ =	shalt  }
0x52: {  	_ =	shalt  }
0x53: {  	_ =	shalt  }
0x54: {  	_ =	shalt  }
0x55: {  	_ =	shalt  }
0x56: {  	_ =	shalt  }
0x57: {  	_ =	shalt  }
0x58: {  	_ =	shalt  }
0x59: {  	_ =	shalt  }
0x5a: {  	_ =	shalt  }
0x5b: {  	_ =	shalt  }
0x5c: {  	_ =	shalt  }
0x5d: {  	_ =	shalt  }
0x5e: {  	_ =	shalt  }
0x5f: {  	_ =	shalt  }
0x60: {  	_ =	shalt  }
0x61: {  	_ =	shalt  }
0x62: {  	_ =	shalt  }
0x63: {  	_ =	shalt  }
0x64: {  	_ =	shalt  }
0x65: {  	_ =	shalt  }
0x66: {  	_ =	shalt  }
0x67: {  	_ =	shalt  }
0x68: {  	_ =	shalt  }
0x69: {  	_ =	shalt  }
0x6a: {  	_ =	shalt  }
0x6b: {  	_ =	shalt  }
0x6c: {  	_ =	shalt  }
0x6d: {  	_ =	shalt  }
0x6e: {  	_ =	shalt  }
0x6f: {  	_ =	shalt  }
0x70: {  	_ =	shalt  }
0x71: {  	_ =	shalt  }
0x72: {  	_ =	shalt  }
0x73: {  	_ =	shalt  }
0x74: {  	_ =	shalt  }
0x75: {  	_ =	shalt  }
0x76: {  	_ =	shalt  }
0x77: {  	_ =	shalt  }
0x78: {  	_ =	shalt  }
0x79: {  	_ =	shalt  }
0x7a: {  	_ =	shalt  }
0x7b: {  	_ =	shalt  }
0x7c: {  	_ =	shalt  }
0x7d: {  	_ =	shalt  }
0x7e: {  	_ =	shalt  }
0x7f: {  	_ =	shalt  }
0x80: {  	_ =	shalt  }
0x81: {  	_ =	shalt  }
0x82: {  	_ =	shalt  }
0x83: {  	_ =	shalt  }
0x84: {  	_ =	shalt  }
0x85: {  	_ =	shalt  }
0x86: {  	_ =	shalt  }
0x87: {  	_ =	shalt  }
.Lfunc_end0:
.L_simem_size_0:
called_computation_lowered:
.L_overlay_start_0:
0x88: {  	s2 =	sld [smem:$0x3FD9]  }
0x89: {  	s3 =	sld [smem:$0x3FFE];
	_ =	sdelay $0x1  }
0x8a: {  	s1 =	srdreg.scid  }
0x8b: {  	s0 =	sand.u32 $0x1, s1  }
0x8c: {  	s15 =	sshll.u32 s0, $0xA;
	s2 =	sadd.s32 s3, s2  }
0x8d: {  	s2 =	sadd.s32 s2, s15  }
0x8e: {  	[smem:$0x3FC3] =	sst s2  }
0x8f: {  	_ = 	snop  }
0x90: {  	s2 =	sld [smem:$0x3FD0]  }
0x91: {  	s16 =	sld [smem:$0x3FC7]  }
0x92: {  	s4 =	sld [smem:$0x3FC6]  }
0x93: {  	s6 =	simm.s32 $0xA;
	s7 =	simm.s32 $0x10;
	s5 =	sld [smem:$0x3FC5]  }
0x94: {  	[smem:s7], [sflag:s6] =	dma.local [hbm:s2], $0x1  }
0x95: {  	_ =	swait.eq [sflag:s6], $0x1  }
0x96: {  	[sflag:s6] =	ssyncset.done $0x0  }
0x97: {  	s17 =	sld [smem:$0x10];
	[sflag:s6] =	ssyncadd.s32 $0xFFFFFFFF  }
0x98: {  	s18 =	sld [smem:$0x11];
	(tm) =	ssettm $0x1  }
0x99: {  	s19 =	sld [smem:$0x3FFB];
	_ =	sdelay $0x3  }
0x9a: {  	_ =	strace s19  }
0x9b: {  	s7 =	sld [smem:$0x3FFC];
	_ =	sdelay $0x3  }
0x9c: {  	_ =	strace s7  }
0x9d: {  	s7 =	sld [smem:$0x3FFD];
	_ =	sdelay $0x3  }
0x9e: {  	_ =	strace s7  }
0x9f: {  	_ =	strace $0x8FFFFFFF  }
0xa0: {  	s20 =	sld [smem:$0x3FDB];
	_ =	sdelay $0x1  }
0xa1: {  	s8 =	simm.s32 $_scs_section_size  }
0xa2: {  	s9 =	simm.s32 $_size__tile_overlayer_lowered;
	s10 =	simm.s32 $_tile_overlayer_lowered  }
0xa3: {  	s23 =	simm.s32 $0x1BFF;
	s22 =	sshll.u32 s10, $0x1;
	s7 =	sadd.s32 s8, s20  }
0xa4: {  	s11 =	simm.s32 $0x0;
	s21 =	sshll.u32 s9, $0x1;
	s9 =	sadd.s32 s22, s7  }
0xa5: {  	[timem:s11], [sflag:s23] =	dma.local [hbm:s9], s21  }
0xa6: {  	_ =	swait.ge [sflag:s23], s21  }
0xa7: {  	s8 =	ssub.s32 $0x0, s21;
	[sflag:s23] =	ssyncset.done $0x0  }
0xa8: {  	[sflag:s23] =	ssyncadd.s32 s8;
	_ =	sdelay $0x1  }
0xa9: {  	s24 =	simm.s32 $0x1B8B  }
0xaa: {  	_ =	swait.ge [sflag:s24], $0x1  }
0xab: {  	[sflag:s24] =	ssyncset.done $0x0  }
0xac: {  	s25 =	simm.s32 $0x1B8E;
	[sflag:s24] =	ssyncadd.s32 $0xFFFFFFFF  }
0xad: {  	s26 =	simm.s32 $execute0_lowered;
	[smem:$0x3FD2] =	sst s25  }
0xae: {  	s8 =	sshll.u32 s26, $0x1;
	_ =	strace $0x80000046;
	[dreg:$0x1] =	wrdreg $0xFFFFFFFF  }
0xaf: {  	s28 =	simm.s32 $_size_execute0_lowered;
	s7 =	sadd.s32 s7, s8;
	[dreg:$0x0] =	wrdreg $0x0  }
0xb0: {  	s8 =	sshll.u32 s28, $0x1;
	[dreg:$0x2] =	wrdreg s7  }
0xb1: {  	[dreg:$0x3] =	wrdreg s8  }
0xb2: {  	[dreg:$0x4] =	wrdreg $0xC0  }
0xb3: {  	_ =	task [dreg:s11], $0x5FFFF  }
0xb4: {  	[dreg:$0x1] =	wrdreg $0xFFFFFFFF  }
0xb5: {  	[dreg:$0x0] =	wrdreg $0x60  }
0xb6: {  	[dreg:$0x2] =	wrdreg s17  }
0xb7: {  	[dreg:$0x3] =	wrdreg s18  }
0xb8: {  	[dreg:$0x4] =	wrdreg s16  }
0xb9: {  	[dreg:$0x5] =	wrdreg s4  }
0xba: {  	[dreg:$0x6] =	wrdreg s5  }
0xbb: {  	[dreg:$0x7] =	wrdreg $0x9  }
0xbc: {  	_ =	task.clear_ibuf [dreg:s11], $0x8FFFF;
	_ =	strace $0x90000046  }
0xbd: {  	s29 =	simm.s32 $0x9;
	_ =	strace $0x80000048  }
0xbe: {  	_ =	swait.ge [sflag:s29], $0x1  }
0xbf: {  	[sflag:s29] =	ssyncadd.s32 $0xFFFFFFFF  }
0xc0: {  	_ =	strace $0x90000048  }
0xc1: {  	_ =	sfence  }
0xc2: {  	s30 =	sld [smem:$0x0];
	_ =	sdelay $0x2  }
0xc3: {  	s31 =	sshll.u32 s1, $0xD;
	s1 =	sshrl.u32 s1, $0x2  }
0xc4: {  	s3 =	sand.u32 $0x4000, s31;
	s1 =	sadd.s32 s1, s30  }
0xc5: {  	s0 =	sor.u32 s3, s0;
	s1 =	sshll.u32 s1, $0x11  }
0xc6: {  	s0 =	sor.u32 s1, s0  }
0xc7: {  	s0 =	sadd.s32 $0x8F2B, s0  }
0xc8: {  	[sflag:s0] =	ssyncadd.remote.s32 $0x1  }
0xc9: {  	_ =	sfence.sel $0xFFFF  }
0xca: {  	[dreg:$0x0] =	wrdreg $0xFFFFFFFF;
	(pc) =	sbr.abs _section_cstart, $3  }
0xcb: {  	[dreg:$0x1] =	wrdreg $0xFFFFFFFF  }
0xcc: {  	_ =	task.clear_ibuf [dreg:s11], $0x2FFFF;
	_ =	strace $0x9FFFFFFF  }
0xcd: {  	(tm) =	ssettm $0x7FFFFFFF  }
tec
execute0_lowered:
.L_overlay_start_1:
0x0: {  	(tag) =	ssettag $0x1  }
0x1: {  	s1 =	rddreg [dreg:$0x0]  }
0x2: {  	s2 =	rddreg [dreg:$0x1]  }
0x3: {  	s3 =	rddreg [dreg:$0x2]  }
0x4: {  	s4 =	rddreg [dreg:$0x3]  }
0x5: {  	s5 =	rddreg [dreg:$0x4]  }
0x6: {  	s0 =	rddreg [dreg:$0x5]  }
0x7: {  	_ =	strace $0x80000047;
	s6 =	simm.s32 $0x0;
	s7 =	simm.s32 $0x3  }
0x8: {  	[tilespmem:s6], [sflag:$0x3] =	stream.linear.gather [hbm4b:s3+s6], $0x80, $0x38;
	[tilespmem:$0x1100] =	vst v63  }
0x9: {  	_ =	swait.ge [sflag:s7], $0x80  }
0xa: {  	[sflag:s7] =	ssyncset.done $0x0  }
0xb: {  	[sflag:s7] =	ssyncadd.s32 $0xFFFFFF80  }
0xc: {  	v0 =	vimm.s32 $0xFEDCBA98;
	v1 =	vimm.s32 $0x76543211;
	v19 =	vld [tilespmem:$0x0]  }
0xd: {  	v0 =	vunpack.c.l.s4.s8 v0;
	v1 =	vunpack.c.l.s4.s8 v1;
	_ =	sdelay $0x1  }
0xe: {  	v2 =	vunpack.c.0.s8.s32 v0;
	v1 =	vunpack.c.0.s8.s32 v1  }
0xf: {  	v0 =	vimm.s32 $0x1  }
0x10: {  	v1 =	vcombine.low v1, v2;
	v4 =	vperm.xlane v19, v0  }
0x11: {  	v3 =	vlaneseq.u32;
	v2 =	vimm.s32 $0x2  }
0x12: {  	v1 =	vand.u32 $0xF, v1;
	v5 =	vperm.xlane v19, v2;
	vm0 =	veq.s32 v19, v4  }
0x13: {  	v4 =	vimm.s32 $0x3;
	v6 =	vsel vm0, v1, v3  }
0x14: {  	vm15 =	veq.s32 v19, v5;
	v7 =	vperm.xlane v19, v4;
	v8 =	vmax.u32 v6, $0x2  }
0x15: {  	v5 =	vimm.s32 $0x4;
	v8 =	vsel vm15, v8, v6  }
0x16: {  	v9 =	vperm.xlane v19, v5;
	vm4 =	veq.s32 v19, v7;
	v7 =	vmax.u32 v8, $0x3  }
0x17: {  	v6 =	vimm.s32 $0x5;
	v8 =	vsel vm4, v7, v8  }
0x18: {  	vm5 =	veq.s32 v19, v9;
	v10 =	vperm.xlane v19, v6;
	v9 =	vmax.u32 v8, $0x4  }
0x19: {  	v7 =	vimm.s32 $0x6;
	v9 =	vsel vm5, v9, v8  }
0x1a: {  	vm6 =	veq.s32 v19, v10;
	v10 =	vperm.xlane v19, v7;
	v11 =	vmax.u32 v9, $0x5  }
0x1b: {  	v8 =	vimm.s32 $0x7;
	v11 =	vsel vm6, v11, v9  }
0x1c: {  	v12 =	vperm.xlane v19, v8;
	vm7 =	veq.s32 v19, v10;
	v10 =	vmax.u32 v11, $0x6  }
0x1d: {  	v9 =	vimm.s32 $0x8;
	v11 =	vsel vm7, v10, v11  }
0x1e: {  	v13 =	vperm.xlane v19, v9;
	vm8 =	veq.s32 v19, v12;
	v12 =	vmax.u32 v11, $0x7  }
0x1f: {  	v10 =	vimm.s32 $0x9;
	v12 =	vsel vm8, v12, v11  }
0x20: {  	v14 =	vperm.xlane v19, v10;
	vm9 =	veq.s32 v19, v13;
	v13 =	vmax.u32 v12, $0x8  }
0x21: {  	v11 =	vimm.s32 $0xA;
	v13 =	vsel vm9, v13, v12  }
0x22: {  	vm10 =	veq.s32 v19, v14;
	v14 =	vperm.xlane v19, v11;
	v15 =	vmax.u32 v13, $0x9  }
0x23: {  	v12 =	vimm.s32 $0xB;
	v15 =	vsel vm10, v15, v13  }
0x24: {  	v16 =	vperm.xlane v19, v12;
	vm11 =	veq.s32 v19, v14;
	v14 =	vmax.u32 v15, $0xA  }
0x25: {  	v13 =	vimm.s32 $0xC;
	v15 =	vsel vm11, v14, v15  }
0x26: {  	v17 =	vperm.xlane v19, v13;
	vm12 =	veq.s32 v19, v16;
	v16 =	vmax.u32 v15, $0xB  }
0x27: {  	v14 =	vimm.s32 $0xD;
	v18 =	vsel vm12, v16, v15  }
0x28: {  	v20 =	vperm.xlane v19, v14;
	vm13 =	veq.s32 v19, v17;
	v17 =	vmax.u32 v18, $0xC  }
0x29: {  	s9 =	srdreg.scid;
	s8 =	stileid.u32;
	v15 =	vimm.s32 $0xE;
	v16 =	vimm.s32 $0xF;
	v17 =	vsel vm13, v17, v18  }
0x2a: {  	s15 =	sand.u32 $0x1, s9;
	s31 =	sshll.u32 s8, $0x1;
	vm14 =	veq.s32 v19, v20;
	v18 =	vperm.xlane v19, v15;
	v20 =	vmax.u32 v17, $0xD  }
0x2b: {  	s9 =	sor.u32 s15, s31;
	v21 =	vperm.xlane v19, v16;
	v20 =	vsel vm14, v20, v17  }
0x2c: {  	s10 =	sshll.u32 s9, $0xD;
	vm15 =	veq.s32 v19, v18;
	v18 =	vmax.u32 v20, $0xE  }
0x2d: {  	s9 =	sshll.u32 s9, $0x4;
	vm1 =	veq.s32 v19, v21;
	v17 =	vmov s10;
	v20 =	vsel vm15, v18, v20  }
0x2e: {  	v19 =	vadd.s32 v17, v19;
	v18 =	vmov s9;
	v20 =	vsel vm1, $0xF, v20  }
0x2f: {  	[tilespmem:$0x0] =	vst v19;
	v19 =	vadd.s32 v18, v20  }
0x30: {  	s11 =	simm.s32 $0x100;
	s10 =	simm.s32 $0x80;
	s9 =	simm.s32 $0x10;
	[tilespmem:$0x80] =	vst v19  }
0x31: {  	[tilespmem:s11], [sflag:$0x1] =	stream.indirect.gather [hbm4b:s4+s9], $0x80, s10, s9, $0xb8;
	[tilespmem:$0x1100] =	vst v63  }
0x32: {  	s12 =	simm.s32 $0x900;
	s13 =	simm.s32 $0x1  }
0x33: {  	[tilespmem:s12], [sflag:$0x2] =	stream.indirect.gather [hbm4b:s5+s9], $0x80, s10, s9, $0xb8;
	[tilespmem:$0x1100] =	vst v63  }
0x34: {  	_ =	swait.ge [sflag:s13], $0x800  }
0x35: {  	[sflag:s13] =	ssyncset.done $0x0  }
0x36: {  	s14 =	simm.s32 $0x2;
	s15 =	ssub.s32 $0x2, s15;
	[sflag:s13] =	ssyncadd.s32 $0xFFFFF800  }
0x37: {  	s16 =	sshrl.u32 s15, $0x1;
	_ =	swait.ge [sflag:s14], $0x800  }
0x38: {  	s15 =	ssub.s32 s15, s16;
	[sflag:s14] =	ssyncset.done $0x0  }
0x39: {  	s15 =	smax.u32 s15, $0x1;
	[sflag:s14] =	ssyncadd.s32 $0xFFFFF800  }
0x3a: {  	[hbm4b:s1+s9] =	stream.indirect.scatter [tilespmem:s11], [sflag:$0x1], $0x80, s6, s9, $0xb8;
	[tilespmem:$0x1100] =	vst v63  }
0x3b: {  	p0 =	sne.s32 s15, $0x1  }
0x3c: {  	[hbm4b:s2+s9] =	stream.indirect.scatter [tilespmem:s12], [sflag:$0x2], $0x80, s6, s9, $0xb8;
	[tilespmem:$0x1100] =	vst v63  }
.Ltmp0:
0x3d: {  	_ =	swait.ge [sflag:s13], $0x800;
	(pc) =	sbr.rel @!p0 .LBB2_2-.Ltmp0, $4  }
0x3e: {  	[sflag:s13] =	ssyncset.done $0x0  }
0x3f: {  	[sflag:s13] =	ssyncadd.s32 $0xFFFFF800  }
0x40: {  	_ =	swait.ge [sflag:s14], $0x800  }
0x41: {  	s15 =	sadd.s32 $0xFFFFFFFF, s15;
	[sflag:s14] =	ssyncset.done $0x0  }
.LBB2_1:
0x42: {  	p0 =	sne.s32 s15, $0x1;
	s15 =	sadd.s32 $0xFFFFFFFF, s15;
	[sflag:s14] =	ssyncadd.s32 $0xFFFFF800  }
0x43: {  	[tilespmem:s6], [sflag:$0x3] =	stream.linear.gather [hbm4b:s3+s6], $0x80, $0x38;
	[tilespmem:$0x1100] =	vst v63  }
0x44: {  	_ =	swait.ge [sflag:s7], $0x80  }
0x45: {  	[sflag:s7] =	ssyncset.done $0x0  }
0x46: {  	[sflag:s7] =	ssyncadd.s32 $0xFFFFFF80  }
0x47: {  	v19 =	vld [tilespmem:$0x0];
	_ =	sdelay $0x4  }
0x48: {  	v20 =	vperm.xlane v19, v0;
	v21 =	vperm.xlane v19, v2;
	v22 =	vadd.s32 v17, v19  }
0x49: {  	v23 =	vperm.xlane v19, v4;
	v24 =	vperm.xlane v19, v5;
	[tilespmem:$0x0] =	vst v22  }
0x4a: {  	vm0 =	veq.s32 v19, v20;
	vm1 =	veq.s32 v19, v21;
	v20 =	vperm.xlane v19, v6  }
0x4b: {  	vm3 =	veq.s32 v19, v24;
	v21 =	vsel vm0, v1, v3;
	vm0 =	veq.s32 v19, v23  }
0x4c: {  	v22 =	vmax.u32 v21, $0x2;
	vm4 =	veq.s32 v19, v20;
	v20 =	vperm.xlane v19, v7  }
0x4d: {  	v23 =	vperm.xlane v19, v9;
	v21 =	vsel vm1, v22, v21;
	v22 =	vperm.xlane v19, v8  }
0x4e: {  	v24 =	vmax.u32 v21, $0x3;
	vm5 =	veq.s32 v19, v20;
	v20 =	vperm.xlane v19, v10  }
0x4f: {  	vm2 =	veq.s32 v19, v23;
	v21 =	vsel vm0, v24, v21;
	vm6 =	veq.s32 v19, v22  }
0x50: {  	v22 =	vmax.u32 v21, $0x4;
	vm0 =	veq.s32 v19, v20;
	v20 =	vperm.xlane v19, v11  }
0x51: {  	v23 =	vperm.xlane v19, v13;
	v21 =	vsel vm3, v22, v21;
	v22 =	vperm.xlane v19, v12  }
0x52: {  	v24 =	vmax.u32 v21, $0x5;
	vm7 =	veq.s32 v19, v20;
	v20 =	vperm.xlane v19, v14  }
0x53: {  	vm3 =	veq.s32 v19, v23;
	v21 =	vsel vm4, v24, v21;
	vm4 =	veq.s32 v19, v22  }
0x54: {  	v22 =	vmax.u32 v21, $0x6;
	vm1 =	veq.s32 v19, v20;
	v20 =	vperm.xlane v19, v15  }
0x55: {  	v21 =	vsel vm5, v22, v21;
	v22 =	vperm.xlane v19, v16  }
0x56: {  	v23 =	vmax.u32 v21, $0x7;
	vm5 =	veq.s32 v19, v20  }
0x57: {  	v20 =	vsel vm6, v23, v21;
	vm6 =	veq.s32 v19, v22  }
0x58: {  	v19 =	vmax.u32 v20, $0x8  }
0x59: {  	v19 =	vsel vm2, v19, v20  }
0x5a: {  	v20 =	vmax.u32 v19, $0x9  }
0x5b: {  	v19 =	vsel vm0, v20, v19  }
0x5c: {  	v20 =	vmax.u32 v19, $0xA  }
0x5d: {  	v19 =	vsel vm7, v20, v19  }
0x5e: {  	v20 =	vmax.u32 v19, $0xB  }
0x5f: {  	v19 =	vsel vm4, v20, v19  }
0x60: {  	v20 =	vmax.u32 v19, $0xC  }
0x61: {  	v19 =	vsel vm3, v20, v19  }
0x62: {  	v20 =	vmax.u32 v19, $0xD  }
0x63: {  	v19 =	vsel vm1, v20, v19  }
0x64: {  	v20 =	vmax.u32 v19, $0xE  }
0x65: {  	v19 =	vsel vm5, v20, v19  }
0x66: {  	v19 =	vsel vm6, $0xF, v19  }
0x67: {  	v19 =	vadd.s32 v18, v19  }
0x68: {  	[tilespmem:$0x80] =	vst v19  }
0x69: {  	[tilespmem:s11], [sflag:$0x1] =	stream.indirect.gather [hbm4b:s4+s9], $0x80, s10, s9, $0xb8;
	[tilespmem:$0x1100] =	vst v63  }
0x6a: {  	_ = 	snop  }
0x6b: {  	[tilespmem:s12], [sflag:$0x2] =	stream.indirect.gather [hbm4b:s5+s9], $0x80, s10, s9, $0xb8;
	[tilespmem:$0x1100] =	vst v63  }
0x6c: {  	_ =	swait.ge [sflag:s13], $0x800  }
0x6d: {  	[sflag:s13] =	ssyncset.done $0x0  }
0x6e: {  	[sflag:s13] =	ssyncadd.s32 $0xFFFFF800  }
0x6f: {  	_ =	swait.ge [sflag:s14], $0x800  }
0x70: {  	[sflag:s14] =	ssyncset.done $0x0  }
0x71: {  	[sflag:s14] =	ssyncadd.s32 $0xFFFFF800  }
0x72: {  	[hbm4b:s1+s9] =	stream.indirect.scatter [tilespmem:s11], [sflag:$0x1], $0x80, s6, s9, $0xb8;
	[tilespmem:$0x1100] =	vst v63  }
0x73: {  	_ = 	snop  }
0x74: {  	[hbm4b:s2+s9] =	stream.indirect.scatter [tilespmem:s12], [sflag:$0x2], $0x80, s6, s9, $0xb8;
	[tilespmem:$0x1100] =	vst v63  }
.Ltmp1:
0x75: {  	_ =	swait.ge [sflag:s13], $0x800;
	(pc) =	sbr.rel @p0 .LBB2_1-.Ltmp1, $4  }
0x76: {  	[sflag:s13] =	ssyncset.done $0x0  }
0x77: {  	[sflag:s13] =	ssyncadd.s32 $0xFFFFF800  }
0x78: {  	_ =	swait.ge [sflag:s14], $0x800  }
0x79: {  	[sflag:s14] =	ssyncset.done $0x0  }
.LBB2_2:
0x7a: {  	[sflag:s14] =	ssyncadd.s32 $0xFFFFF800  }
0x7b: {  	_ =	sfence.sel $0x180000  }
0x7c: {  	[bflag:$0x0] =	sbarrier.arrive $0xFFFF  }
0x7d: {  	p0 =	sne.s32 s8, $0x0;
	_ =	strace $0x90000047  }
0x7e: {  	s0 =	sadd.s32 @!p0 $0x100000, s0;
	[bflag:$0x2] =	sbarrier.arrive $0xFFFF  }
0x7f: {  	[sflag:s0] =	ssyncadd.tile.s32 @!p0 $0x1;
	_ =	shalt  }
.Lfunc_end2:
_tile_overlayer_lowered:
.L_overlay_start_2:
0x80: {  	(tag) =	ssettag $0x2  }
0x81: {  	s0 =	rddreg [dreg:$0x0];
	s2 =	stileid.u32  }
0x82: {  	s1 =	rddreg [dreg:$0x1];
	p0 =	sne.s32 s2, $0x0  }
0x83: {  	s3 =	rddreg [dreg:$0x2];
	[bflag:$0x3] =	sbarrier.arrive $0xFFFF;
	s2 =	simm.s32 @!p0 $0x1C03  }
0x84: {  	[timem:s3], [sflag:s2] =	dma.local @!p0 [hbm:s0], s1  }
0x85: {  	s0 =	simm.s32 @!p0 $0x3  }
0x86: {  	_ =	swait.ge @!p0 [sflag:s0], s1  }
0x87: {  	s1 =	ssub.s32 @!p0 $0x0, s1;
	[sflag:s0] =	ssyncset.done @!p0 $0x0  }
0x88: {  	[sflag:s0] =	ssyncadd.s32 @!p0 s1  }
0x89: {  	[bflag:$0x3] =	sbarrier.arrive $0xFFFF  }
0x8a: {  	_ =	shalt  }

</sc_bundles>
